<compile_context>
chip_gen: v7x
topology: tpu7x:2x2x1
jax: 0.10.2.dev20260603
libtpu: 0.0.44.dev20260713+nightly
codegen_flags: <defaults>
</compile_context>

<pallas_src>
import jax
import jax.numpy as jnp
from jax import lax
from jax.experimental import pallas as pl
from jax.experimental.pallas import tpu as pltpu
from jax.experimental.pallas import tpu_sc as plsc

VOCAB_SIZE = 1000000
EMB_SIZE = 32
N = 16384
LANES = 16

NUM_CORES = 2
NUM_SUBCORES = 16
NUM_WORKERS = NUM_CORES * NUM_SUBCORES

FULL_TILES = VOCAB_SIZE // 128
ROW_BLOCKS = FULL_TILES + 1
TILES_PER_PART = FULL_TILES // 8
EXTRA_TILES = FULL_TILES % 8
TAIL_START = FULL_TILES * 128
TAIL = VOCAB_SIZE - TAIL_START
ROW_STRIDE = ROW_BLOCKS * 128
TRASH_ROW = EMB_SIZE * ROW_BLOCKS
SCRATCH_ROWS = TRASH_ROW + 8
SLOTS = TILES_PER_PART + 2


def _scatter_rows():
    w = jnp.arange(NUM_WORKERS)
    slab, part = w // 8, w % 8
    r = jnp.arange(8)
    feat_rows = (slab[:, None] * 8 + r[None, :]) * ROW_BLOCKS
    k = jnp.arange(TILES_PER_PART)
    main = (feat_rows[:, None, :]
            + (part[:, None] * TILES_PER_PART + k[None, :])[:, :, None])
    extra = jnp.where((part < EXTRA_TILES)[:, None],
                      feat_rows + (8 * TILES_PER_PART + part)[:, None],
                      TRASH_ROW + r[None, :])
    tail = jnp.where((part == 0)[:, None],
                     feat_rows + FULL_TILES,
                     TRASH_ROW + r[None, :])
    return jnp.concatenate(
        [main, extra[:, None, :], tail[:, None, :]], axis=1
    ).astype(jnp.int32)


def _detile_body(table_t, aux, ridx, scratch, tile_v, idxbuf_v, sem):
    c = lax.axis_index("c")
    s = lax.axis_index("s")
    wid = c * NUM_SUBCORES + s
    slab = wid // 8
    part = wid % 8
    pltpu.sync_copy(ridx.at[wid], idxbuf_v)

    def step(k, carry):
        block = part * TILES_PER_PART + k
        pltpu.sync_copy(
            table_t.at[pl.ds(slab * 8, 8), pl.ds(block * 128, 128)], tile_v
        )
        pltpu.async_copy(tile_v, scratch.at[idxbuf_v.at[k]], sem).wait()
        return carry

    lax.fori_loop(0, TILES_PER_PART, step, 0)

    eblock = jnp.where(part < EXTRA_TILES, 8 * TILES_PER_PART + part, 0)
    pltpu.sync_copy(
        table_t.at[pl.ds(slab * 8, 8), pl.ds(eblock * 128, 128)], tile_v
    )
    pltpu.async_copy(
        tile_v, scratch.at[idxbuf_v.at[TILES_PER_PART]], sem
    ).wait()

    pltpu.sync_copy(aux.at[pl.ds(slab * 8, 8)], tile_v)
    pltpu.async_copy(
        tile_v, scratch.at[idxbuf_v.at[TILES_PER_PART + 1]], sem
    ).wait()


def _gather_body(flat, vocab, out_flat, idx_v, vals_v, sem):
    c = lax.axis_index("c")
    s = lax.axis_index("s")
    wid = c * NUM_SUBCORES + s
    pltpu.sync_copy(vocab, idx_v)
    row_base = wid * ROW_STRIDE

    def add_base(g, carry):
        idx_v[pl.ds(g * LANES, LANES)] = (
            idx_v[pl.ds(g * LANES, LANES)] + row_base
        )
        return carry

    lax.fori_loop(0, N // LANES, add_base, 0)
    pltpu.async_copy(flat.at[idx_v], vals_v, sem).wait()
    pltpu.sync_copy(vals_v, out_flat.at[pl.ds(wid * N, N)])


def _mesh():
    return plsc.VectorSubcoreMesh(
        core_axis_name="c", subcore_axis_name="s",
        num_cores=NUM_CORES, num_subcores=NUM_SUBCORES,
    )


def _detile(table_t, aux, ridx):
    return pl.kernel(
        _detile_body,
        out_type=jax.ShapeDtypeStruct((SCRATCH_ROWS, 128), jnp.float32),
        mesh=_mesh(),
        scratch_types=[
            pltpu.VMEM((8, 128), jnp.float32),
            pltpu.VMEM((SLOTS, 8), jnp.int32),
            pltpu.SemaphoreType.DMA,
        ],
    )(table_t, aux, ridx)


def _node_gather(flat, vocab_ids):
    return pl.kernel(
        _gather_body,
        out_type=jax.ShapeDtypeStruct((EMB_SIZE * N,), jnp.float32),
        mesh=_mesh(),
        scratch_types=[
            pltpu.VMEM((N,), jnp.int32),
            pltpu.VMEM((N,), jnp.float32),
            pltpu.SemaphoreType.DMA,
        ],
    )(flat, vocab_ids)


@jax.jit
def _impl(vocab_ids, selector_ids, node_table, sel_table):
    vidx = vocab_ids.astype(jnp.int32)
    table_t = node_table.T
    aux = jnp.pad(table_t[:, TAIL_START:], ((0, 0), (0, 128 - TAIL)))
    scratch = _detile(table_t, aux, _scatter_rows())
    out_t = _node_gather(scratch.reshape(SCRATCH_ROWS * 128), vidx)
    nodes = out_t.reshape(EMB_SIZE, N).T
    sel = jnp.take(sel_table, selector_ids.astype(jnp.int32), axis=0)
    return jnp.concatenate([nodes, sel], axis=1)


def kernel(vocab_ids, selector_ids, node_table, sel_table):
    return _impl(vocab_ids, selector_ids, node_table, sel_table)

# --- scband reference (transcript-rebuilt; emitter-appended) ---
"""Pipeline reference for scband-node-embeddings-4964982194951 (READ-ONLY COPY).

The authoritative reference and input builder live on the scoring server;
editing this copy changes nothing except your own understanding.
"""

import jax, jax.numpy as jnp
import numpy as np

VOCAB_SIZE = 1000000
EMB_SIZE = 32
N = 16384

def setup_inputs(seed: int = 0) -> dict:
    key = jax.random.key(seed)
    k1, k2, k3 = jax.random.split(key, 3)
    vocab_ids = jax.random.randint(k1, (N,), 0, VOCAB_SIZE, dtype=jnp.int64 if jax.config.jax_enable_x64 else jnp.int32)
    selector_ids = jax.random.randint(k2, (N,), 0, 2, dtype=jnp.int64 if jax.config.jax_enable_x64 else jnp.int32)
    node_table = jax.random.normal(k3, (VOCAB_SIZE, EMB_SIZE), dtype=jnp.float32)
    sel_table = jnp.array([[0.0, 50.0], [50.0, 0.0]], dtype=jnp.float32)
    return {"vocab_ids": vocab_ids, "selector_ids": selector_ids, "node_table": node_table, "sel_table": sel_table}

def reference(vocab_ids, selector_ids, node_table, sel_table):
    # embs = self.node_embs(vocab_ids)
    embs = jnp.take(node_table, vocab_ids, axis=0)
    # selector_embs = self.selector_embs(selector_ids); cat along feature dim
    selector_embs = jnp.take(sel_table, selector_ids, axis=0)
    embs = jnp.concatenate((embs, selector_embs), axis=1)
    return embs

if __name__ == "__main__":
    import jax
    _d = setup_inputs()
    print(jax.jit(kernel)(*tuple(_d.values())))

</pallas_src>

<mosaic_0001>
#map = affine_map<(d0, d1) -> (0, 0)>
#map1 = affine_map<(d0, d1) -> (0, 0, 0)>
module attributes {stable_mosaic.version = 14 : i64} {
  func.func @_detile_body(%arg0: i32, %arg1: i32, %arg2: memref<32x1000000xf32, #tpu.memory_space<hbm>>, %arg3: memref<32x128xf32, #tpu.memory_space<hbm>>, %arg4: memref<32x978x8xi32, #tpu.memory_space<hbm>>, %arg5: memref<250024x128xf32, #tpu.memory_space<hbm>>, %arg6: memref<8x128xf32, #tpu.memory_space<vmem>>, %arg7: memref<978x8xi32, #tpu.memory_space<vmem>>, %arg8: memref<!tpu.dma_semaphore, #tpu.memory_space<semaphore_mem>>) attributes {dimension_semantics = [#tpu.dimension_semantics<core_parallel>, #tpu.dimension_semantics<subcore_parallel>], iteration_bounds = array<i64: 2, 16>, scalar_prefetch = 0 : i64, scratch_operands = 3 : i64, tpu.core_type = #tpu.core_type<sc_vector_subcore>, window_params = [{transform_indices = #map}, {transform_indices = #map}, {transform_indices = #map1}, {transform_indices = #map}]} {
    %mul3A = arith.constant 16 : i32
    %mul3A_0 = arith.muli %arg0, %mul3A : i32
    %add3A = arith.addi %mul3A_0, %arg1 : i32
    %jit3A = arith.constant 8 : i32
    %div3A = arith.divsi %add3A, %jit3A : i32
    %sign3A = arith.constant 0 : i32
    %sign3A_1 = arith.cmpi sgt, %add3A, %sign3A : i32
    %sign3A_2 = arith.extui %sign3A_1 : i1 to i32
    %sign3A_3 = arith.constant 0 : i32
    %sign3A_4 = arith.cmpi slt, %add3A, %sign3A_3 : i32
    %sign3A_5 = arith.extui %sign3A_4 : i1 to i32
    %sign3A_6 = arith.subi %sign3A_2, %sign3A_5 : i32
    %sign3A_7 = arith.constant 0 : i32
    %sign3A_8 = arith.cmpi sgt, %jit3A, %sign3A_7 : i32
    %sign3A_9 = arith.extui %sign3A_8 : i1 to i32
    %sign3A_10 = arith.constant 0 : i32
    %sign3A_11 = arith.cmpi slt, %jit3A, %sign3A_10 : i32
    %sign3A_12 = arith.extui %sign3A_11 : i1 to i32
    %sign3A_13 = arith.subi %sign3A_9, %sign3A_12 : i32
    %ne3A = arith.cmpi ne, %sign3A_6, %sign3A_13 : i32
    %rem3A = arith.remsi %add3A, %jit3A : i32
    %ne3A_14 = arith.constant 0 : i32
    %ne3A_15 = arith.cmpi ne, %rem3A, %ne3A_14 : i32
    %and3A = arith.andi %ne3A, %ne3A_15 : i1
    %sub3A = arith.constant 1 : i32
    %sub3A_16 = arith.subi %div3A, %sub3A : i32
    %select_n3A = arith.select %and3A, %sub3A_16, %div3A : i32
    %jit3A_17 = arith.constant 8 : i32
    %eq3A = arith.constant 0 : i32
    %eq3A_18 = arith.cmpi eq, %jit3A_17, %eq3A : i32
    %jit3A_19 = arith.constant 1 : i32
    %select_n3A_20 = arith.select %eq3A_18, %jit3A_19, %jit3A_17 : i32
    %rem3A_21 = arith.remsi %add3A, %select_n3A_20 : i32
    %ne3A_22 = arith.constant 0 : i32
    %ne3A_23 = arith.cmpi ne, %rem3A_21, %ne3A_22 : i32
    %lt3A = arith.constant 0 : i32
    %lt3A_24 = arith.cmpi slt, %rem3A_21, %lt3A : i32
    %lt3A_25 = arith.constant 0 : i32
    %lt3A_26 = arith.cmpi slt, %select_n3A_20, %lt3A_25 : i32
    %ne3A_27 = arith.xori %lt3A_24, %lt3A_26 : i1
    %and3A_28 = arith.andi %ne3A_27, %ne3A_23 : i1
    %add3A_29 = arith.addi %rem3A_21, %select_n3A_20 : i32
    %select_n3A_30 = arith.select %and3A_28, %add3A_29, %rem3A_21 : i32
    "tpu.region"() ({
      %run_scoped3A = tpu.sem_alloc : memref<!tpu.dma_semaphore, #tpu.memory_space<semaphore_mem>>
      %dma_start3A_74 = arith.constant 0 : i32
      %dma_start3A_75 = arith.constant 0 : i32
      %dma_start3A_76 = tpu.memref_slice %arg4[%add3A, %dma_start3A_74, %dma_start3A_75] : memref<32x978x8xi32, #tpu.memory_space<hbm>> -> memref<1x978x8xi32, #tpu.memory_space<hbm>>
      %dma_start3A_77 = tpu.memref_squeeze %dma_start3A_76 : memref<1x978x8xi32, #tpu.memory_space<hbm>> -> memref<978x8xi32, #tpu.memory_space<hbm>>
      %dma_start3A_78 = arith.constant 0 : i32
      %dma_start3A_79 = arith.constant 0 : i32
      %dma_start3A_80 = tpu.memref_slice %arg4[%add3A, %dma_start3A_78, %dma_start3A_79] : memref<32x978x8xi32, #tpu.memory_space<hbm>> -> memref<1x978x8xi32, #tpu.memory_space<hbm>>
      %dma_start3A_81 = tpu.memref_squeeze %dma_start3A_80 : memref<1x978x8xi32, #tpu.memory_space<hbm>> -> memref<978x8xi32, #tpu.memory_space<hbm>>
      tpu.enqueue_dma source(%dma_start3A_81 : memref<978x8xi32, #tpu.memory_space<hbm>>) target(%arg7 : memref<978x8xi32, #tpu.memory_space<vmem>>) target_semaphore(%run_scoped3A : memref<!tpu.dma_semaphore, #tpu.memory_space<semaphore_mem>>)
      %dma_wait3A_82 = arith.constant 0 : i32
      %dma_wait3A_83 = arith.constant 0 : i32
      %dma_wait3A_84 = tpu.memref_slice %arg4[%add3A, %dma_wait3A_82, %dma_wait3A_83] : memref<32x978x8xi32, #tpu.memory_space<hbm>> -> memref<1x978x8xi32, #tpu.memory_space<hbm>>
      %dma_wait3A_85 = tpu.memref_squeeze %dma_wait3A_84 : memref<1x978x8xi32, #tpu.memory_space<hbm>> -> memref<978x8xi32, #tpu.memory_space<hbm>>
      %dma_wait3A_86 = arith.constant 0 : i32
      %dma_wait3A_87 = arith.constant 0 : i32
      %dma_wait3A_88 = tpu.memref_slice %arg4[%add3A, %dma_wait3A_86, %dma_wait3A_87] : memref<32x978x8xi32, #tpu.memory_space<hbm>> -> memref<1x978x8xi32, #tpu.memory_space<hbm>>
      %dma_wait3A_89 = tpu.memref_squeeze %dma_wait3A_88 : memref<1x978x8xi32, #tpu.memory_space<hbm>> -> memref<978x8xi32, #tpu.memory_space<hbm>>
      tpu.wait_dma2 semaphore(%run_scoped3A : memref<!tpu.dma_semaphore, #tpu.memory_space<semaphore_mem>>) src(%dma_wait3A_89 : memref<978x8xi32, #tpu.memory_space<hbm>>) dst(%arg7 : memref<978x8xi32, #tpu.memory_space<vmem>>)
      tpu.yield
    }) : () -> ()
    %scan3A = arith.constant 0 : i32
    %scan3A_31 = arith.constant 0 : i32
    %scan3A_32 = arith.constant 976 : i32
    %scan3A_33 = arith.addi %scan3A_31, %scan3A_32 : i32
    %scan3A_34 = arith.constant 1 : i32
    scf.for %scan3A_74 = %scan3A_31 to %scan3A_33 step %scan3A_34  : i32 {
      %mul3A_75 = arith.constant 976 : i32
      %mul3A_76 = arith.muli %select_n3A_30, %mul3A_75 : i32
      %add3A_77 = arith.addi %mul3A_76, %scan3A_74 : i32
      %mul3A_78 = arith.constant 8 : i32
      %mul3A_79 = arith.muli %select_n3A, %mul3A_78 : i32
      %mul3A_80 = arith.constant 128 : i32
      %mul3A_81 = arith.muli %add3A_77, %mul3A_80 : i32
      "tpu.region"() ({
        %run_scoped3A = tpu.sem_alloc : memref<!tpu.dma_semaphore, #tpu.memory_space<semaphore_mem>>
        %dma_start3A_94 = tpu.memref_slice %arg2[%mul3A_79, %mul3A_81] : memref<32x1000000xf32, #tpu.memory_space<hbm>> -> memref<8x128xf32, #tpu.memory_space<hbm>>
        %dma_start3A_95 = tpu.memref_slice %arg2[%mul3A_79, %mul3A_81] : memref<32x1000000xf32, #tpu.memory_space<hbm>> -> memref<8x128xf32, #tpu.memory_space<hbm>>
        tpu.enqueue_dma source(%dma_start3A_95 : memref<8x128xf32, #tpu.memory_space<hbm>>) target(%arg6 : memref<8x128xf32, #tpu.memory_space<vmem>>) target_semaphore(%run_scoped3A : memref<!tpu.dma_semaphore, #tpu.memory_space<semaphore_mem>>)
        %dma_wait3A_96 = tpu.memref_slice %arg2[%mul3A_79, %mul3A_81] : memref<32x1000000xf32, #tpu.memory_space<hbm>> -> memref<8x128xf32, #tpu.memory_space<hbm>>
        %dma_wait3A_97 = tpu.memref_slice %arg2[%mul3A_79, %mul3A_81] : memref<32x1000000xf32, #tpu.memory_space<hbm>> -> memref<8x128xf32, #tpu.memory_space<hbm>>
        tpu.wait_dma2 semaphore(%run_scoped3A : memref<!tpu.dma_semaphore, #tpu.memory_space<semaphore_mem>>) src(%dma_wait3A_97 : memref<8x128xf32, #tpu.memory_space<hbm>>) dst(%arg6 : memref<8x128xf32, #tpu.memory_space<vmem>>)
        tpu.yield
      }) : () -> ()
      %dma_start3A_82 = arith.constant 0 : i32
      %dma_start3A_83 = tpu.memref_slice %arg7[%scan3A_74, %dma_start3A_82] : memref<978x8xi32, #tpu.memory_space<vmem>> -> memref<1x8xi32, #tpu.memory_space<vmem>>
      %dma_start3A_84 = tpu.memref_squeeze %dma_start3A_83 : memref<1x8xi32, #tpu.memory_space<vmem>> -> memref<8xi32, #tpu.memory_space<vmem>>
      %dma_start3A_85 = arith.constant 0 : i32
      %dma_start3A_86 = arith.constant 0 : i32
      %dma_start3A_87 = tpu.memref_slice %arg5[%dma_start3A_85, %dma_start3A_86] : memref<250024x128xf32, #tpu.memory_space<hbm>> -> memref<250024x128xf32, #tpu.memory_space<hbm>>
      tpu.enqueue_indirect_dma source(%arg6 : memref<8x128xf32, #tpu.memory_space<vmem>>) target(%dma_start3A_87 : memref<250024x128xf32, #tpu.memory_space<hbm>>) offsets(%dma_start3A_84 : memref<8xi32, #tpu.memory_space<vmem>>) semaphore(%arg8 : memref<!tpu.dma_semaphore, #tpu.memory_space<semaphore_mem>>)
      %dma_wait3A_88 = arith.constant 0 : i32
      %dma_wait3A_89 = tpu.memref_slice %arg7[%scan3A_74, %dma_wait3A_88] : memref<978x8xi32, #tpu.memory_space<vmem>> -> memref<1x8xi32, #tpu.memory_space<vmem>>
      %dma_wait3A_90 = tpu.memref_squeeze %dma_wait3A_89 : memref<1x8xi32, #tpu.memory_space<vmem>> -> memref<8xi32, #tpu.memory_space<vmem>>
      %dma_wait3A_91 = arith.constant 0 : i32
      %dma_wait3A_92 = arith.constant 0 : i32
      %dma_wait3A_93 = tpu.memref_slice %arg5[%dma_wait3A_91, %dma_wait3A_92] : memref<250024x128xf32, #tpu.memory_space<hbm>> -> memref<250024x128xf32, #tpu.memory_space<hbm>>
      tpu.wait_indirect_dma semaphore(%arg8 : memref<!tpu.dma_semaphore, #tpu.memory_space<semaphore_mem>>) src(%arg6 : memref<8x128xf32, #tpu.memory_space<vmem>>) dst(%dma_wait3A_93 : memref<250024x128xf32, #tpu.memory_space<hbm>>)
    }
    %scan3A_35 = arith.constant 976 : i32
    %lt3A_36 = arith.constant 4 : i32
    %lt3A_37 = arith.cmpi slt, %select_n3A_30, %lt3A_36 : i32
    %add3A_38 = arith.constant 7808 : i32
    %add3A_39 = arith.addi %add3A_38, %select_n3A_30 : i32
    %jit3A_40 = arith.constant 0 : i32
    %select_n3A_41 = arith.select %lt3A_37, %add3A_39, %jit3A_40 : i32
    %mul3A_42 = arith.constant 8 : i32
    %mul3A_43 = arith.muli %select_n3A, %mul3A_42 : i32
    %mul3A_44 = arith.constant 128 : i32
    %mul3A_45 = arith.muli %select_n3A_41, %mul3A_44 : i32
    "tpu.region"() ({
      %run_scoped3A = tpu.sem_alloc : memref<!tpu.dma_semaphore, #tpu.memory_space<semaphore_mem>>
      %dma_start3A_74 = tpu.memref_slice %arg2[%mul3A_43, %mul3A_45] : memref<32x1000000xf32, #tpu.memory_space<hbm>> -> memref<8x128xf32, #tpu.memory_space<hbm>>
      %dma_start3A_75 = tpu.memref_slice %arg2[%mul3A_43, %mul3A_45] : memref<32x1000000xf32, #tpu.memory_space<hbm>> -> memref<8x128xf32, #tpu.memory_space<hbm>>
      tpu.enqueue_dma source(%dma_start3A_75 : memref<8x128xf32, #tpu.memory_space<hbm>>) target(%arg6 : memref<8x128xf32, #tpu.memory_space<vmem>>) target_semaphore(%run_scoped3A : memref<!tpu.dma_semaphore, #tpu.memory_space<semaphore_mem>>)
      %dma_wait3A_76 = tpu.memref_slice %arg2[%mul3A_43, %mul3A_45] : memref<32x1000000xf32, #tpu.memory_space<hbm>> -> memref<8x128xf32, #tpu.memory_space<hbm>>
      %dma_wait3A_77 = tpu.memref_slice %arg2[%mul3A_43, %mul3A_45] : memref<32x1000000xf32, #tpu.memory_space<hbm>> -> memref<8x128xf32, #tpu.memory_space<hbm>>
      tpu.wait_dma2 semaphore(%run_scoped3A : memref<!tpu.dma_semaphore, #tpu.memory_space<semaphore_mem>>) src(%dma_wait3A_77 : memref<8x128xf32, #tpu.memory_space<hbm>>) dst(%arg6 : memref<8x128xf32, #tpu.memory_space<vmem>>)
      tpu.yield
    }) : () -> ()
    %dma_start3A = arith.constant 976 : i32
    %dma_start3A_46 = arith.constant 0 : i32
    %dma_start3A_47 = tpu.memref_slice %arg7[%dma_start3A, %dma_start3A_46] : memref<978x8xi32, #tpu.memory_space<vmem>> -> memref<1x8xi32, #tpu.memory_space<vmem>>
    %dma_start3A_48 = tpu.memref_squeeze %dma_start3A_47 : memref<1x8xi32, #tpu.memory_space<vmem>> -> memref<8xi32, #tpu.memory_space<vmem>>
    %dma_start3A_49 = arith.constant 0 : i32
    %dma_start3A_50 = arith.constant 0 : i32
    %dma_start3A_51 = tpu.memref_slice %arg5[%dma_start3A_49, %dma_start3A_50] : memref<250024x128xf32, #tpu.memory_space<hbm>> -> memref<250024x128xf32, #tpu.memory_space<hbm>>
    tpu.enqueue_indirect_dma source(%arg6 : memref<8x128xf32, #tpu.memory_space<vmem>>) target(%dma_start3A_51 : memref<250024x128xf32, #tpu.memory_space<hbm>>) offsets(%dma_start3A_48 : memref<8xi32, #tpu.memory_space<vmem>>) semaphore(%arg8 : memref<!tpu.dma_semaphore, #tpu.memory_space<semaphore_mem>>)
    %dma_wait3A = arith.constant 976 : i32
    %dma_wait3A_52 = arith.constant 0 : i32
    %dma_wait3A_53 = tpu.memref_slice %arg7[%dma_wait3A, %dma_wait3A_52] : memref<978x8xi32, #tpu.memory_space<vmem>> -> memref<1x8xi32, #tpu.memory_space<vmem>>
    %dma_wait3A_54 = tpu.memref_squeeze %dma_wait3A_53 : memref<1x8xi32, #tpu.memory_space<vmem>> -> memref<8xi32, #tpu.memory_space<vmem>>
    %dma_wait3A_55 = arith.constant 0 : i32
    %dma_wait3A_56 = arith.constant 0 : i32
    %dma_wait3A_57 = tpu.memref_slice %arg5[%dma_wait3A_55, %dma_wait3A_56] : memref<250024x128xf32, #tpu.memory_space<hbm>> -> memref<250024x128xf32, #tpu.memory_space<hbm>>
    tpu.wait_indirect_dma semaphore(%arg8 : memref<!tpu.dma_semaphore, #tpu.memory_space<semaphore_mem>>) src(%arg6 : memref<8x128xf32, #tpu.memory_space<vmem>>) dst(%dma_wait3A_57 : memref<250024x128xf32, #tpu.memory_space<hbm>>)
    %mul3A_58 = arith.constant 8 : i32
    %mul3A_59 = arith.muli %select_n3A, %mul3A_58 : i32
    "tpu.region"() ({
      %run_scoped3A = tpu.sem_alloc : memref<!tpu.dma_semaphore, #tpu.memory_space<semaphore_mem>>
      %dma_start3A_74 = arith.constant 0 : i32
      %dma_start3A_75 = tpu.memref_slice %arg3[%mul3A_59, %dma_start3A_74] : memref<32x128xf32, #tpu.memory_space<hbm>> -> memref<8x128xf32, #tpu.memory_space<hbm>>
      %dma_start3A_76 = arith.constant 0 : i32
      %dma_start3A_77 = tpu.memref_slice %arg3[%mul3A_59, %dma_start3A_76] : memref<32x128xf32, #tpu.memory_space<hbm>> -> memref<8x128xf32, #tpu.memory_space<hbm>>
      tpu.enqueue_dma source(%dma_start3A_77 : memref<8x128xf32, #tpu.memory_space<hbm>>) target(%arg6 : memref<8x128xf32, #tpu.memory_space<vmem>>) target_semaphore(%run_scoped3A : memref<!tpu.dma_semaphore, #tpu.memory_space<semaphore_mem>>)
      %dma_wait3A_78 = arith.constant 0 : i32
      %dma_wait3A_79 = tpu.memref_slice %arg3[%mul3A_59, %dma_wait3A_78] : memref<32x128xf32, #tpu.memory_space<hbm>> -> memref<8x128xf32, #tpu.memory_space<hbm>>
      %dma_wait3A_80 = arith.constant 0 : i32
      %dma_wait3A_81 = tpu.memref_slice %arg3[%mul3A_59, %dma_wait3A_80] : memref<32x128xf32, #tpu.memory_space<hbm>> -> memref<8x128xf32, #tpu.memory_space<hbm>>
      tpu.wait_dma2 semaphore(%run_scoped3A : memref<!tpu.dma_semaphore, #tpu.memory_space<semaphore_mem>>) src(%dma_wait3A_81 : memref<8x128xf32, #tpu.memory_space<hbm>>) dst(%arg6 : memref<8x128xf32, #tpu.memory_space<vmem>>)
      tpu.yield
    }) : () -> ()
    %dma_start3A_60 = arith.constant 977 : i32
    %dma_start3A_61 = arith.constant 0 : i32
    %dma_start3A_62 = tpu.memref_slice %arg7[%dma_start3A_60, %dma_start3A_61] : memref<978x8xi32, #tpu.memory_space<vmem>> -> memref<1x8xi32, #tpu.memory_space<vmem>>
    %dma_start3A_63 = tpu.memref_squeeze %dma_start3A_62 : memref<1x8xi32, #tpu.memory_space<vmem>> -> memref<8xi32, #tpu.memory_space<vmem>>
    %dma_start3A_64 = arith.constant 0 : i32
    %dma_start3A_65 = arith.constant 0 : i32
    %dma_start3A_66 = tpu.memref_slice %arg5[%dma_start3A_64, %dma_start3A_65] : memref<250024x128xf32, #tpu.memory_space<hbm>> -> memref<250024x128xf32, #tpu.memory_space<hbm>>
    tpu.enqueue_indirect_dma source(%arg6 : memref<8x128xf32, #tpu.memory_space<vmem>>) target(%dma_start3A_66 : memref<250024x128xf32, #tpu.memory_space<hbm>>) offsets(%dma_start3A_63 : memref<8xi32, #tpu.memory_space<vmem>>) semaphore(%arg8 : memref<!tpu.dma_semaphore, #tpu.memory_space<semaphore_mem>>)
    %dma_wait3A_67 = arith.constant 977 : i32
    %dma_wait3A_68 = arith.constant 0 : i32
    %dma_wait3A_69 = tpu.memref_slice %arg7[%dma_wait3A_67, %dma_wait3A_68] : memref<978x8xi32, #tpu.memory_space<vmem>> -> memref<1x8xi32, #tpu.memory_space<vmem>>
    %dma_wait3A_70 = tpu.memref_squeeze %dma_wait3A_69 : memref<1x8xi32, #tpu.memory_space<vmem>> -> memref<8xi32, #tpu.memory_space<vmem>>
    %dma_wait3A_71 = arith.constant 0 : i32
    %dma_wait3A_72 = arith.constant 0 : i32
    %dma_wait3A_73 = tpu.memref_slice %arg5[%dma_wait3A_71, %dma_wait3A_72] : memref<250024x128xf32, #tpu.memory_space<hbm>> -> memref<250024x128xf32, #tpu.memory_space<hbm>>
    tpu.wait_indirect_dma semaphore(%arg8 : memref<!tpu.dma_semaphore, #tpu.memory_space<semaphore_mem>>) src(%arg6 : memref<8x128xf32, #tpu.memory_space<vmem>>) dst(%dma_wait3A_73 : memref<250024x128xf32, #tpu.memory_space<hbm>>)
    return
  }
}

#map = affine_map<(d0, d1) -> (0)>
module attributes {stable_mosaic.version = 14 : i64} {
  func.func @_gather_body(%arg0: i32, %arg1: i32, %arg2: memref<32003072xf32, #tpu.memory_space<hbm>>, %arg3: memref<16384xi32, #tpu.memory_space<hbm>>, %arg4: memref<524288xf32, #tpu.memory_space<hbm>>, %arg5: memref<16384xi32, #tpu.memory_space<vmem>>, %arg6: memref<16384xf32, #tpu.memory_space<vmem>>, %arg7: memref<!tpu.dma_semaphore, #tpu.memory_space<semaphore_mem>>) attributes {dimension_semantics = [#tpu.dimension_semantics<core_parallel>, #tpu.dimension_semantics<subcore_parallel>], iteration_bounds = array<i64: 2, 16>, scalar_prefetch = 0 : i64, scratch_operands = 3 : i64, tpu.core_type = #tpu.core_type<sc_vector_subcore>, window_params = [{transform_indices = #map}, {transform_indices = #map}, {transform_indices = #map}]} {
    %mul3A = arith.constant 16 : i32
    %mul3A_0 = arith.muli %arg0, %mul3A : i32
    %add3A = arith.addi %mul3A_0, %arg1 : i32
    "tpu.region"() ({
      %run_scoped3A = tpu.sem_alloc : memref<!tpu.dma_semaphore, #tpu.memory_space<semaphore_mem>>
      tpu.enqueue_dma source(%arg3 : memref<16384xi32, #tpu.memory_space<hbm>>) target(%arg5 : memref<16384xi32, #tpu.memory_space<vmem>>) target_semaphore(%run_scoped3A : memref<!tpu.dma_semaphore, #tpu.memory_space<semaphore_mem>>)
      tpu.wait_dma2 semaphore(%run_scoped3A : memref<!tpu.dma_semaphore, #tpu.memory_space<semaphore_mem>>) src(%arg3 : memref<16384xi32, #tpu.memory_space<hbm>>) dst(%arg5 : memref<16384xi32, #tpu.memory_space<vmem>>)
      tpu.yield
    }) : () -> ()
    %mul3A_1 = arith.constant 1000064 : i32
    %mul3A_2 = arith.muli %add3A, %mul3A_1 : i32
    %scan3A = arith.constant 0 : i32
    %scan3A_3 = arith.constant 0 : i32
    %scan3A_4 = arith.constant 1024 : i32
    %scan3A_5 = arith.addi %scan3A_3, %scan3A_4 : i32
    %scan3A_6 = arith.constant 1 : i32
    scf.for %scan3A_12 = %scan3A_3 to %scan3A_5 step %scan3A_6  : i32 {
      %mul3A_13 = arith.constant 16 : i32
      %mul3A_14 = arith.muli %scan3A_12, %mul3A_13 : i32
      %get3A = arith.index_cast %mul3A_14 : i32 to index
      %get3A_15 = tpu.vector_load %arg5[%get3A] {strides = array<i32>} : memref<16384xi32, #tpu.memory_space<vmem>>, vector<16xi32>,
      %get3A_16 = vector.shape_cast %get3A_15 : vector<16xi32> to vector<16xi32>
      %add3A_17 = vector.broadcast %mul3A_2 : i32 to vector<16xi32>
      %add3A_18 = arith.addi %get3A_16, %add3A_17 : vector<16xi32>
      %mul3A_19 = arith.constant 16 : i32
      %mul3A_20 = arith.muli %scan3A_12, %mul3A_19 : i32
      %swap3A = arith.index_cast %mul3A_20 : i32 to index
      %swap3A_21 = tpu.vector_load %arg5[%swap3A] {strides = array<i32>} : memref<16384xi32, #tpu.memory_space<vmem>>, vector<16xi32>,
      %swap3A_22 = vector.shape_cast %swap3A_21 : vector<16xi32> to vector<16xi32>
      %swap3A_23 = vector.shape_cast %add3A_18 : vector<16xi32> to vector<16xi32>
      tpu.vector_store %arg5[%swap3A], %swap3A_23 {strides = array<i32>} : memref<16384xi32, #tpu.memory_space<vmem>>, vector<16xi32>,
    }
    %scan3A_7 = arith.constant 1024 : i32
    %dma_start3A = arith.constant 0 : i32
    %dma_start3A_8 = tpu.memref_slice %arg2[%dma_start3A] : memref<32003072xf32, #tpu.memory_space<hbm>> -> memref<32003072xf32, #tpu.memory_space<hbm>>
    tpu.enqueue_indirect_dma source(%dma_start3A_8 : memref<32003072xf32, #tpu.memory_space<hbm>>) target(%arg6 : memref<16384xf32, #tpu.memory_space<vmem>>) offsets(%arg5 : memref<16384xi32, #tpu.memory_space<vmem>>) semaphore(%arg7 : memref<!tpu.dma_semaphore, #tpu.memory_space<semaphore_mem>>)
    %dma_wait3A = arith.constant 0 : i32
    %dma_wait3A_9 = tpu.memref_slice %arg2[%dma_wait3A] : memref<32003072xf32, #tpu.memory_space<hbm>> -> memref<32003072xf32, #tpu.memory_space<hbm>>
    tpu.wait_indirect_dma semaphore(%arg7 : memref<!tpu.dma_semaphore, #tpu.memory_space<semaphore_mem>>) src(%dma_wait3A_9 : memref<32003072xf32, #tpu.memory_space<hbm>>) dst(%arg6 : memref<16384xf32, #tpu.memory_space<vmem>>)
    %mul3A_10 = arith.constant 16384 : i32
    %mul3A_11 = arith.muli %add3A, %mul3A_10 : i32
    "tpu.region"() ({
      %run_scoped3A = tpu.sem_alloc : memref<!tpu.dma_semaphore, #tpu.memory_space<semaphore_mem>>
      %dma_start3A_12 = tpu.memref_slice %arg4[%mul3A_11] : memref<524288xf32, #tpu.memory_space<hbm>> -> memref<16384xf32, #tpu.memory_space<hbm>>
      %dma_start3A_13 = tpu.memref_slice %arg4[%mul3A_11] : memref<524288xf32, #tpu.memory_space<hbm>> -> memref<16384xf32, #tpu.memory_space<hbm>>
      tpu.enqueue_dma source(%arg6 : memref<16384xf32, #tpu.memory_space<vmem>>) target(%dma_start3A_13 : memref<16384xf32, #tpu.memory_space<hbm>>) target_semaphore(%run_scoped3A : memref<!tpu.dma_semaphore, #tpu.memory_space<semaphore_mem>>)
      %dma_wait3A_14 = tpu.memref_slice %arg4[%mul3A_11] : memref<524288xf32, #tpu.memory_space<hbm>> -> memref<16384xf32, #tpu.memory_space<hbm>>
      %dma_wait3A_15 = tpu.memref_slice %arg4[%mul3A_11] : memref<524288xf32, #tpu.memory_space<hbm>> -> memref<16384xf32, #tpu.memory_space<hbm>>
      tpu.wait_dma2 semaphore(%run_scoped3A : memref<!tpu.dma_semaphore, #tpu.memory_space<semaphore_mem>>) src(%arg6 : memref<16384xf32, #tpu.memory_space<vmem>>) dst(%dma_wait3A_15 : memref<16384xf32, #tpu.memory_space<hbm>>)
      tpu.yield
    }) : () -> ()
    return
  }
}

</mosaic_0001>

<sc_bundles>
// kernel: _impl.4.cloned.1.call-start
scs
__scs_entry_jumppad:
0x0: {  	(pc) =	sbr.rel $0x88, $3  }
0x1: {  	(tag) =	ssettag $0x0;
	lr =	simm.s32 $0x1  }
0x2: {  	[smem:$0x3F9D] =	sst lr;
	_ =	strace $0xD0000000  }
0x3: {  	_ = 	snop  }
0x4: {  	_ = 	snop  }
0x5: {  	_ = 	snop  }
0x6: {  	_ = 	snop  }
0x7: {  	_ = 	snop  }
__scs_overlays_trampoline_lowered:
0x8: {  	[smem:$0x3FAC] =	sst s0  }
0x9: {  	[smem:$0x3FAD] =	sst s1  }
0xa: {  	[smem:$0x3FAE] =	sst s2  }
0xb: {  	[smem:$0x3FAF] =	sst s3  }
0xc: {  	[smem:$0x3FB0] =	sst s4  }
0xd: {  	[smem:$0x3FB1] =	sst s5  }
0xe: {  	[smem:$0x3FB2] =	sst s6  }
0xf: {  	[smem:$0x3FB3] =	sst s7  }
0x10: {  	[smem:$0x3FB4] =	sst s8  }
0x11: {  	[smem:$0x3FB5] =	sst s9;
	s0 =	simm.s32 @!p0 $0x0  }
0x12: {  	s1 =	sld [smem:$0x3F9B];
	s0 =	simm.s32 @p0 $0x1  }
0x13: {  	[smem:$0x3FB6] =	sst s0;
	s0 =	simm.s32 @!p1 $0x0  }
0x14: {  	s2 =	sld [smem:$0x3F9A];
	s0 =	simm.s32 @p1 $0x1  }
0x15: {  	[smem:$0x3FB7] =	sst s0;
	s0 =	simm.s32 @!p2 $0x0  }
0x16: {  	s3 =	sld [smem:$0x3FDB];
	s0 =	simm.s32 @p2 $0x1  }
0x17: {  	s4 =	simm.s32 $0x1BF5;
	[smem:$0x3FB9] =	sst s0  }
0x18: {  	s0 =	sld [smem:$0x3F9C];
	_ =	swait.ge [sflag:s4], $0x0  }
0x19: {  	s7 =	sld [smem:$0x3F9D]  }
0x1a: {  	s8 =	sadd.s32 $0xFFFFE003, lr  }
0x1b: {  	s9 =	sadd.s32 $0xFFFFFEF7, lr;
	s5 =	simm.s32 $0xFFFFFFFF;
	p2 =	slt.u32 s8, $0xFFFFF086  }
0x1c: {  	p1 =	slt.u32 s9, $0xF7A;
	s5 =	simm.s32 @!p2 $0x0  }
0x1d: {  	s5 =	simm.s32 @p1 $0x1;
	p0 =	seq.s32 s7, s2  }
0x1e: {  	s7 =	smul.u32 @!p0 $0xF7A, s2;
	p2 =	seq.s32 @!p0 s5, $0x0  }
0x1f: {  	s9 =	smul.u32 $0xF7A, s1;
	s8 =	simm.s32 @!p0 $0x1BF5;
	p2 =	por !p2, p0  }
0x20: {  	[sflag:s8] =	ssyncset.s32 @!p0 $0xFFFFF086;
	s6 =	sadd.s32 @!p0 s3, s7;
	s7 =	simm.s32 @!p0 $0x108  }
0x21: {  	s3 =	sadd.s32 s3, s9;
	s6 =	sadd.s32 @!p0 $0x88, s6;
	s7 =	simm.s32 @p2 $0x1082  }
0x22: {  	[simem:s7], [sflag:s8] =	dma.local @!p0 [hbm:s6], $0xF7A  }
0x23: {  	s9 =	sor.u32 $0xD0000000, s2;
	s6 =	simm.s32 $0x108;
	_ =	swait.ge @!p0 [sflag:s8], $0x0  }
0x24: {  	s3 =	sadd.s32 $0x88, s3;
	s6 =	simm.s32 @!p1 $0x1082;
	[sflag:s4] =	ssyncset.s32 $0xFFFFF086  }
0x25: {  	[simem:s6], [sflag:s4] =	dma.local [hbm:s3], $0xF7A  }
0x26: {  	[smem:$0x3F9D] =	sst s1;
	(tag) =	ssettag s2;
	_ =	strace s9  }
0x27: {  	s1 =	sld [smem:$0x3FAD]  }
0x28: {  	s2 =	sld [smem:$0x3FAE]  }
0x29: {  	s4 =	sld [smem:$0x3FB0]  }
0x2a: {  	p0 =	seq.s32 s5, $0x0;
	s5 =	sld [smem:$0x3FB1]  }
0x2b: {  	s6 =	sld [smem:$0x3FB2]  }
0x2c: {  	s7 =	sld [smem:$0x3FB3]  }
0x2d: {  	s3 =	simm.s32 $0x108;
	s8 =	sld [smem:$0x3FB4]  }
0x2e: {  	s3 =	simm.s32 @!p0 $0x1082;
	s9 =	sld [smem:$0x3FB5]  }
0x2f: {  	lr =	sadd.s32 s0, s3;
	s0 =	sld [smem:$0x3FAC]  }
0x30: {  	s3 =	sld [smem:$0x3FAF]  }
0x31: {  	[smem:$0x3FB8] =	sst s10  }
0x32: {  	s10 =	sld [smem:$0x3FB6];
	_ =	sdelay $0x3  }
0x33: {  	p0 =	seq.s32 s10, $0x1;
	s10 =	sld [smem:$0x3FB8];
	_ =	sdelay $0x3  }
0x34: {  	[smem:$0x3FB8] =	sst s10  }
0x35: {  	s10 =	sld [smem:$0x3FB7];
	_ =	sdelay $0x3  }
0x36: {  	p1 =	seq.s32 s10, $0x1;
	s10 =	sld [smem:$0x3FB8];
	_ =	sdelay $0x3  }
0x37: {  	[smem:$0x3FB8] =	sst s10  }
0x38: {  	s10 =	sld [smem:$0x3FB9]  }
0x39: {  	_ = 	snop;
	(pc) =	sbr.ind lr, $3  }
0x3a: {  	_ = 	snop  }
0x3b: {  	_ = 	snop  }
0x3c: {  	p2 =	seq.s32 s10, $0x1;
	s10 =	sld [smem:$0x3FB8]  }
0x3d: {  	_ =	shalt  }
0x3e: {  	_ =	shalt  }
0x3f: {  	_ =	shalt  }
0x40: {  	_ =	shalt  }
0x41: {  	_ =	shalt  }
0x42: {  	_ =	shalt  }
0x43: {  	_ =	shalt  }
0x44: {  	_ =	shalt  }
0x45: {  	_ =	shalt  }
0x46: {  	_ =	shalt  }
0x47: {  	_ =	shalt  }
0x48: {  	_ =	shalt  }
0x49: {  	_ =	shalt  }
0x4a: {  	_ =	shalt  }
0x4b: {  	_ =	shalt  }
0x4c: {  	_ =	shalt  }
0x4d: {  	_ =	shalt  }
0x4e: {  	_ =	shalt  }
0x4f: {  	_ =	shalt  }
0x50: {  	_ =	shalt  }
0x51: {  	_ =	shalt  }
0x52: {  	_ =	shalt  }
0x53: {  	_ =	shalt  }
0x54: {  	_ =	shalt  }
0x55: {  	_ =	shalt  }
0x56: {  	_ =	shalt  }
0x57: {  	_ =	shalt  }
0x58: {  	_ =	shalt  }
0x59: {  	_ =	shalt  }
0x5a: {  	_ =	shalt  }
0x5b: {  	_ =	shalt  }
0x5c: {  	_ =	shalt  }
0x5d: {  	_ =	shalt  }
0x5e: {  	_ =	shalt  }
0x5f: {  	_ =	shalt  }
0x60: {  	_ =	shalt  }
0x61: {  	_ =	shalt  }
0x62: {  	_ =	shalt  }
0x63: {  	_ =	shalt  }
0x64: {  	_ =	shalt  }
0x65: {  	_ =	shalt  }
0x66: {  	_ =	shalt  }
0x67: {  	_ =	shalt  }
0x68: {  	_ =	shalt  }
0x69: {  	_ =	shalt  }
0x6a: {  	_ =	shalt  }
0x6b: {  	_ =	shalt  }
0x6c: {  	_ =	shalt  }
0x6d: {  	_ =	shalt  }
0x6e: {  	_ =	shalt  }
0x6f: {  	_ =	shalt  }
0x70: {  	_ =	shalt  }
0x71: {  	_ =	shalt  }
0x72: {  	_ =	shalt  }
0x73: {  	_ =	shalt  }
0x74: {  	_ =	shalt  }
0x75: {  	_ =	shalt  }
0x76: {  	_ =	shalt  }
0x77: {  	_ =	shalt  }
0x78: {  	_ =	shalt  }
0x79: {  	_ =	shalt  }
0x7a: {  	_ =	shalt  }
0x7b: {  	_ =	shalt  }
0x7c: {  	_ =	shalt  }
0x7d: {  	_ =	shalt  }
0x7e: {  	_ =	shalt  }
0x7f: {  	_ =	shalt  }
0x80: {  	_ =	shalt  }
0x81: {  	_ =	shalt  }
0x82: {  	_ =	shalt  }
0x83: {  	_ =	shalt  }
0x84: {  	_ =	shalt  }
0x85: {  	_ =	shalt  }
0x86: {  	_ =	shalt  }
0x87: {  	_ =	shalt  }
.Lfunc_end0:
.L_simem_size_0:
called_computation_lowered:
.L_overlay_start_0:
0x88: {  	s2 =	sld [smem:$0x3FD9]  }
0x89: {  	s3 =	sld [smem:$0x3FFE];
	_ =	sdelay $0x1  }
0x8a: {  	s1 =	srdreg.scid  }
0x8b: {  	s0 =	sand.u32 $0x1, s1  }
0x8c: {  	s17 =	sshll.u32 s0, $0xA;
	s2 =	sadd.s32 s3, s2  }
0x8d: {  	s2 =	sadd.s32 s2, s17  }
0x8e: {  	[smem:$0x3FC4] =	sst s2  }
0x8f: {  	_ = 	snop  }
0x90: {  	s2 =	sld [smem:$0x3FC7]  }
0x91: {  	s18 =	sld [smem:$0x3FD0];
	(tm) =	ssettm $0x1  }
0x92: {  	s4 =	sld [smem:$0x3FFB];
	_ =	sdelay $0x3  }
0x93: {  	_ =	strace s4  }
0x94: {  	s4 =	sld [smem:$0x3FFC];
	_ =	sdelay $0x3  }
0x95: {  	_ =	strace s4  }
0x96: {  	s4 =	sld [smem:$0x3FFD];
	_ =	sdelay $0x3  }
0x97: {  	_ =	strace s4  }
0x98: {  	_ =	strace $0x8FFFFFFF  }
0x99: {  	s19 =	sld [smem:$0x3FDB];
	_ =	sdelay $0x1  }
0x9a: {  	s5 =	simm.s32 $_scs_section_size  }
0x9b: {  	s6 =	simm.s32 $_size__tile_overlayer_lowered;
	s7 =	simm.s32 $_tile_overlayer_lowered  }
0x9c: {  	s22 =	simm.s32 $0x1BFF;
	s21 =	sshll.u32 s7, $0x1;
	s4 =	sadd.s32 s5, s19  }
0x9d: {  	s8 =	simm.s32 $0x0;
	s20 =	sshll.u32 s6, $0x1;
	s6 =	sadd.s32 s21, s4  }
0x9e: {  	[timem:s8], [sflag:s22] =	dma.local [hbm:s6], s20  }
0x9f: {  	_ =	swait.ge [sflag:s22], s20  }
0xa0: {  	s5 =	ssub.s32 $0x0, s20;
	[sflag:s22] =	ssyncset.done $0x0  }
0xa1: {  	[sflag:s22] =	ssyncadd.s32 s5;
	_ =	sdelay $0x1  }
0xa2: {  	s23 =	simm.s32 $0x1B8B  }
0xa3: {  	_ =	swait.ge [sflag:s23], $0x1  }
0xa4: {  	[sflag:s23] =	ssyncset.done $0x0  }
0xa5: {  	s25 =	simm.s32 $0x1B8E;
	s24 =	sld [smem:$0x3FFE];
	[sflag:s23] =	ssyncadd.s32 $0xFFFFFFFF  }
0xa6: {  	s26 =	simm.s32 $execute0_lowered;
	[smem:$0x3FD2] =	sst s25  }
0xa7: {  	s6 =	sshll.u32 s26, $0x1;
	_ =	strace $0x80000046;
	[dreg:$0x1] =	wrdreg $0xFFFFFFFF  }
0xa8: {  	s28 =	simm.s32 $_size_execute0_lowered;
	s4 =	sadd.s32 s4, s6;
	[dreg:$0x0] =	wrdreg $0x0  }
0xa9: {  	s6 =	sshll.u32 s28, $0x1;
	[dreg:$0x2] =	wrdreg s4  }
0xaa: {  	[dreg:$0x3] =	wrdreg s6  }
0xab: {  	[dreg:$0x4] =	wrdreg $0xC0  }
0xac: {  	_ =	task [dreg:s8], $0x5FFFF  }
0xad: {  	[dreg:$0x1] =	wrdreg $0xFFFFFFFF  }
0xae: {  	[dreg:$0x0] =	wrdreg $0x60  }
0xaf: {  	[dreg:$0x2] =	wrdreg s2  }
0xb0: {  	[dreg:$0x3] =	wrdreg s18  }
0xb1: {  	[dreg:$0x4] =	wrdreg s24  }
0xb2: {  	[dreg:$0x5] =	wrdreg $0x9  }
0xb3: {  	_ =	task.clear_ibuf [dreg:s8], $0x6FFFF;
	_ =	strace $0x90000046  }
0xb4: {  	s29 =	simm.s32 $0x9;
	_ =	strace $0x80000048  }
0xb5: {  	_ =	swait.ge [sflag:s29], $0x1  }
0xb6: {  	[sflag:s29] =	ssyncadd.s32 $0xFFFFFFFF  }
0xb7: {  	_ =	strace $0x90000048  }
0xb8: {  	_ =	sfence  }
0xb9: {  	s30 =	sld [smem:$0x0];
	_ =	sdelay $0x2  }
0xba: {  	s31 =	sshll.u32 s1, $0xD;
	s1 =	sshrl.u32 s1, $0x2  }
0xbb: {  	s3 =	sand.u32 $0x4000, s31;
	s1 =	sadd.s32 s1, s30  }
0xbc: {  	s0 =	sor.u32 s3, s0;
	s1 =	sshll.u32 s1, $0x11  }
0xbd: {  	s0 =	sor.u32 s1, s0  }
0xbe: {  	s0 =	sadd.s32 $0x8F2B, s0  }
0xbf: {  	[sflag:s0] =	ssyncadd.remote.s32 $0x1  }
0xc0: {  	_ =	sfence.sel $0xFFFF  }
0xc1: {  	[dreg:$0x0] =	wrdreg $0xFFFFFFFF;
	(pc) =	sbr.abs _section_cstart, $3  }
0xc2: {  	[dreg:$0x1] =	wrdreg $0xFFFFFFFF  }
0xc3: {  	_ =	task.clear_ibuf [dreg:s8], $0x2FFFF;
	_ =	strace $0x9FFFFFFF  }
0xc4: {  	(tm) =	ssettm $0x7FFFFFFF  }
0xc5: {  	_ =	shalt  }
tec
execute0_lowered:
.L_overlay_start_1:
0x0: {  	(tag) =	ssettag $0x1  }
0x1: {  	s0 =	rddreg [dreg:$0x0]  }
0x2: {  	s8 =	rddreg [dreg:$0x1]  }
0x3: {  	s1 =	srdreg.scid;
	s5 =	rddreg [dreg:$0x2]  }
0x4: {  	s2 =	stileid.u32;
	s10 =	simm.s32 $0x1;
	s15 =	simm.s32 $0x1EC80  }
0x5: {  	s16 =	simm.s32 $0x0;
	s4 =	sand.u32 $0x1, s1;
	s7 =	sand.u32 $0x7, s2  }
0x6: {  	s1 =	rddreg [dreg:$0x3];
	s3 =	sshll.u32 s4, $0x4;
	p1 =	sne.s32 s7, $0x0  }
0x7: {  	s11 =	ssub.s32 $0x2, s4;
	s29 =	sshll.u32 s7, $0xA;
	s4 =	sadd.s32 $0x7C200, s5  }
0x8: {  	s14 =	smul.u32 $0xF4000, s7;
	s6 =	sor.u32 s2, s3;
	s3 =	simm.s32 $0x0  }
0x9: {  	s12 =	sor.u32 $0x7A0000, s29;
	s30 =	sshrl.u32 s11, $0x1;
	p0 =	seq.s32 s6, $0x0  }
0xa: {  	[smem:$0x7FF] =	sst s3;
	s9 =	smul.u32 $0x3D80, s6;
	p0 =	por !p1, !p0  }
0xb: {  	s6 =	sshrl.u32 s6, $0x3;
	s11 =	ssub.s32 s11, s30;
	p0 =	por !p0, !p0  }
0xc: {  	_ =	strace $0x80000047;
	s9 =	sadd.s32 s9, s5;
	s10 =	simm.s32 @!p0 $0x0  }
0xd: {  	s5 =	simm.s32 $0x1;
	p0 =	slt.u32 s7, $0x4;
	s6 =	ssub.s32 s6, s10  }
0xe: {  	s12 =	simm.s32 @!p0 $0x0;
	s10 =	smul.u32 $0x7A1400, s6;
	s13 =	sshll.u32 s6, $0x7  }
0xf: {  	s6 =	sadd.s32 $0x1200, s9;
	s9 =	smax.u32 s11, $0x1;
	s11 =	simm.s32 $0x400  }
0x10: {  	s31 =	sand.u32 $0x1FFFFF80, s13;
	s13 =	simm.s32 $0x8;
	s12 =	sadd.s32 s12, s10  }
0x11: {  	s8 =	sadd.s32 s8, s31;
	s10 =	sadd.s32 s14, s10;
	s12 =	sshrl.u32 s12, $0x3  }
0x12: {  	s14 =	simm.s32 $0x1EC00;
	s7 =	sadd.s32 s0, s12;
	s12 =	simm.s32 $0x2  }
.LBB2_1:
0x13: {  	[tilespmem:s11], [sflag:$0x2] =	stream.linear.gather [hbm4b:s6+s3], $0x1E900, $0x38;
	[tilespmem:$0x1F000] =	vst v63  }
0x14: {  	_ =	swait.ge [sflag:s12], $0x1E900  }
0x15: {  	s17 =	sshrl.u32 s10, $0x3;
	[sflag:s12] =	ssyncset.done $0x0  }
0x16: {  	s17 =	sadd.s32 s0, s17;
	[sflag:s12] =	ssyncadd.s32 $0xFFFE1700  }
0x17: {  	[tilespmem:s3], [sflag:$0x2] =	stream.linear.gather [hbm4b:s17+s3], $0x400, $0x38;
	[tilespmem:$0x1F000] =	vst v63  }
0x18: {  	_ =	swait.ge [sflag:s12], $0x400  }
0x19: {  	[sflag:s12] =	ssyncset.done $0x0  }
0x1a: {  	s31 =	simm.s32 $0x400;
	[sflag:s12] =	ssyncadd.s32 $0xFFFFFC00  }
0x1b: {  	[hbm4b:s4+s13] =	stream.indirect.scatter [tilespmem:s3], [sflag:$0x1], $0x80, s31, s13, $0xb8;
	[tilespmem:$0x1F000] =	vst v63  }
0x1c: {  	s18 =	sadd.s32 $0x400, s10;
	s19 =	simm.s32 $0x400;
	_ =	swait.ge [sflag:s5], $0x400  }
0x1d: {  	s20 =	sshrl.u32 s18, $0x3;
	s17 =	simm.s32 $0x200;
	[sflag:s5] =	ssyncset.done $0x0  }
.LBB2_2:
0x1e: {  	p0 =	sne.s32 s19, $0x79E00;
	s20 =	sadd.s32 s0, s20;
	[sflag:s5] =	ssyncadd.s32 $0xFFFFFC00  }
0x1f: {  	[tilespmem:s3], [sflag:$0x2] =	stream.linear.gather [hbm4b:s20+s3], $0x400, $0x38;
	[tilespmem:$0x1F000] =	vst v63  }
0x20: {  	s20 =	smov.u32 s19;
	s19 =	sadd.s32 $0x200, s19;
	_ =	swait.ge [sflag:s12], $0x400  }
.Ltmp0:
0x21: {  	s17 =	sshra.s32 s17, $0x2;
	[sflag:s12] =	ssyncset.done $0x0;
	(pc) =	sbr.rel @p0 .LBB2_2-.Ltmp0, $4  }
0x22: {  	s21 =	sadd.s32 $0x400, s17;
	s17 =	smov.u32 s20;
	[sflag:s12] =	ssyncadd.s32 $0xFFFFFC00  }
0x23: {  	[hbm4b:s4+s13] =	stream.indirect.scatter [tilespmem:s3], [sflag:$0x1], $0x80, s21, s13, $0xb8;
	[tilespmem:$0x1F000] =	vst v63  }
0x24: {  	s18 =	sadd.s32 $0x400, s18;
	_ =	swait.ge [sflag:s5], $0x400  }
0x25: {  	s20 =	sshrl.u32 s18, $0x3;
	[sflag:s5] =	ssyncset.done $0x0  }
0x26: {  	s18 =	sadd.s32 s0, s20;
	[sflag:s5] =	ssyncadd.s32 $0xFFFFFC00  }
0x27: {  	[tilespmem:s3], [sflag:$0x2] =	stream.linear.gather [hbm4b:s18+s3], $0x400, $0x38;
	[tilespmem:$0x1F000] =	vst v63  }
0x28: {  	_ =	swait.ge [sflag:s12], $0x400  }
0x29: {  	s17 =	sshra.s32 s17, $0x2;
	[sflag:s12] =	ssyncset.done $0x0  }
0x2a: {  	s17 =	sadd.s32 $0x400, s17;
	[sflag:s12] =	ssyncadd.s32 $0xFFFFFC00  }
0x2b: {  	[hbm4b:s4+s13] =	stream.indirect.scatter [tilespmem:s3], [sflag:$0x1], $0x80, s17, s13, $0xb8;
	[tilespmem:$0x1F000] =	vst v63  }
0x2c: {  	_ =	swait.ge [sflag:s5], $0x400  }
0x2d: {  	[sflag:s5] =	ssyncset.done $0x0  }
0x2e: {  	[sflag:s5] =	ssyncadd.s32 $0xFFFFFC00  }
0x2f: {  	[tilespmem:s3], [sflag:$0x2] =	stream.linear.gather [hbm4b:s7+s3], $0x400, $0x38;
	[tilespmem:$0x1F000] =	vst v63  }
0x30: {  	_ =	swait.ge [sflag:s12], $0x400  }
0x31: {  	[sflag:s12] =	ssyncset.done $0x0  }
0x32: {  	[sflag:s12] =	ssyncadd.s32 $0xFFFFFC00  }
0x33: {  	[hbm4b:s4+s13] =	stream.indirect.scatter [tilespmem:s3], [sflag:$0x1], $0x80, s14, s13, $0xb8;
	[tilespmem:$0x1F000] =	vst v63  }
0x34: {  	_ =	swait.ge [sflag:s5], $0x400  }
0x35: {  	[sflag:s5] =	ssyncset.done $0x0  }
0x36: {  	[sflag:s5] =	ssyncadd.s32 $0xFFFFFC00  }
0x37: {  	[tilespmem:s3], [sflag:$0x2] =	stream.linear.gather [hbm4b:s8+s3], $0x400, $0x38;
	[tilespmem:$0x1F000] =	vst v63  }
0x38: {  	s16 =	sadd.s32 $0x1, s16;
	_ =	swait.ge [sflag:s12], $0x400  }
0x39: {  	p0 =	sne.s32 s16, s9;
	[sflag:s12] =	ssyncset.done $0x0  }
.Ltmp1:
0x3a: {  	[sflag:s12] =	ssyncadd.s32 $0xFFFFFC00;
	(pc) =	sbr.rel @p0 .LBB2_1-.Ltmp1, $4  }
0x3b: {  	[hbm4b:s4+s13] =	stream.indirect.scatter [tilespmem:s3], [sflag:$0x1], $0x80, s15, s13, $0xb8;
	[tilespmem:$0x1F000] =	vst v63  }
0x3c: {  	_ =	swait.ge [sflag:s5], $0x400  }
0x3d: {  	[sflag:s5] =	ssyncset.done $0x0  }
0x3e: {  	[sflag:s5] =	ssyncadd.s32 $0xFFFFFC00  }
0x3f: {  	_ =	sfence.sel $0x180000  }
0x40: {  	[bflag:$0x0] =	sbarrier.arrive $0xFFFF  }
0x41: {  	p0 =	sne.s32 s2, $0x0;
	_ =	strace $0x90000047  }
0x42: {  	s0 =	sadd.s32 @!p0 $0x100000, s1;
	[bflag:$0x2] =	sbarrier.arrive $0xFFFF  }
0x43: {  	[sflag:s0] =	ssyncadd.tile.s32 @!p0 $0x1;
	_ =	shalt  }
.Lfunc_end2:
_tile_overlayer_lowered:
.L_overlay_start_2:
0x44: {  	(tag) =	ssettag $0x2  }
0x45: {  	s0 =	rddreg [dreg:$0x0];
	s2 =	stileid.u32  }
0x46: {  	s1 =	rddreg [dreg:$0x1];
	p0 =	sne.s32 s2, $0x0  }
0x47: {  	s3 =	rddreg [dreg:$0x2];
	[bflag:$0x3] =	sbarrier.arrive $0xFFFF;
	s2 =	simm.s32 @!p0 $0x1C02  }
0x48: {  	[timem:s3], [sflag:s2] =	dma.local @!p0 [hbm:s0], s1  }
0x49: {  	s0 =	simm.s32 @!p0 $0x2  }
0x4a: {  	_ =	swait.ge @!p0 [sflag:s0], s1  }
0x4b: {  	s1 =	ssub.s32 @!p0 $0x0, s1;
	[sflag:s0] =	ssyncset.done @!p0 $0x0  }
0x4c: {  	[sflag:s0] =	ssyncadd.s32 @!p0 s1  }
0x4d: {  	[bflag:$0x3] =	sbarrier.arrive $0xFFFF  }
0x4e: {  	_ =	shalt  }

// kernel: _impl.7.cloned.1.call-start
scs
__scs_entry_jumppad:
0x0: {  	(pc) =	sbr.rel $0x88, $3  }
0x1: {  	(tag) =	ssettag $0x0;
	lr =	simm.s32 $0x1  }
0x2: {  	[smem:$0x3F9D] =	sst lr;
	_ =	strace $0xD0000000  }
0x3: {  	_ = 	snop  }
0x4: {  	_ = 	snop  }
0x5: {  	_ = 	snop  }
0x6: {  	_ = 	snop  }
0x7: {  	_ = 	snop  }
__scs_overlays_trampoline_lowered:
0x8: {  	[smem:$0x3FAC] =	sst s0  }
0x9: {  	[smem:$0x3FAD] =	sst s1  }
0xa: {  	[smem:$0x3FAE] =	sst s2  }
0xb: {  	[smem:$0x3FAF] =	sst s3  }
0xc: {  	[smem:$0x3FB0] =	sst s4  }
0xd: {  	[smem:$0x3FB1] =	sst s5  }
0xe: {  	[smem:$0x3FB2] =	sst s6  }
0xf: {  	[smem:$0x3FB3] =	sst s7  }
0x10: {  	[smem:$0x3FB4] =	sst s8  }
0x11: {  	[smem:$0x3FB5] =	sst s9;
	s0 =	simm.s32 @!p0 $0x0  }
0x12: {  	s1 =	sld [smem:$0x3F9B];
	s0 =	simm.s32 @p0 $0x1  }
0x13: {  	[smem:$0x3FB6] =	sst s0;
	s0 =	simm.s32 @!p1 $0x0  }
0x14: {  	s2 =	sld [smem:$0x3F9A];
	s0 =	simm.s32 @p1 $0x1  }
0x15: {  	[smem:$0x3FB7] =	sst s0;
	s0 =	simm.s32 @!p2 $0x0  }
0x16: {  	s3 =	sld [smem:$0x3FDB];
	s0 =	simm.s32 @p2 $0x1  }
0x17: {  	s4 =	simm.s32 $0x1BF5;
	[smem:$0x3FB9] =	sst s0  }
0x18: {  	s0 =	sld [smem:$0x3F9C];
	_ =	swait.ge [sflag:s4], $0x0  }
0x19: {  	s7 =	sld [smem:$0x3F9D]  }
0x1a: {  	s8 =	sadd.s32 $0xFFFFE003, lr  }
0x1b: {  	s9 =	sadd.s32 $0xFFFFFEF7, lr;
	s5 =	simm.s32 $0xFFFFFFFF;
	p2 =	slt.u32 s8, $0xFFFFF086  }
0x1c: {  	p1 =	slt.u32 s9, $0xF7A;
	s5 =	simm.s32 @!p2 $0x0  }
0x1d: {  	s5 =	simm.s32 @p1 $0x1;
	p0 =	seq.s32 s7, s2  }
0x1e: {  	s7 =	smul.u32 @!p0 $0xF7A, s2;
	p2 =	seq.s32 @!p0 s5, $0x0  }
0x1f: {  	s9 =	smul.u32 $0xF7A, s1;
	s8 =	simm.s32 @!p0 $0x1BF5;
	p2 =	por !p2, p0  }
0x20: {  	[sflag:s8] =	ssyncset.s32 @!p0 $0xFFFFF086;
	s6 =	sadd.s32 @!p0 s3, s7;
	s7 =	simm.s32 @!p0 $0x108  }
0x21: {  	s3 =	sadd.s32 s3, s9;
	s6 =	sadd.s32 @!p0 $0x88, s6;
	s7 =	simm.s32 @p2 $0x1082  }
0x22: {  	[simem:s7], [sflag:s8] =	dma.local @!p0 [hbm:s6], $0xF7A  }
0x23: {  	s9 =	sor.u32 $0xD0000000, s2;
	s6 =	simm.s32 $0x108;
	_ =	swait.ge @!p0 [sflag:s8], $0x0  }
0x24: {  	s3 =	sadd.s32 $0x88, s3;
	s6 =	simm.s32 @!p1 $0x1082;
	[sflag:s4] =	ssyncset.s32 $0xFFFFF086  }
0x25: {  	[simem:s6], [sflag:s4] =	dma.local [hbm:s3], $0xF7A  }
0x26: {  	[smem:$0x3F9D] =	sst s1;
	(tag) =	ssettag s2;
	_ =	strace s9  }
0x27: {  	s1 =	sld [smem:$0x3FAD]  }
0x28: {  	s2 =	sld [smem:$0x3FAE]  }
0x29: {  	s4 =	sld [smem:$0x3FB0]  }
0x2a: {  	p0 =	seq.s32 s5, $0x0;
	s5 =	sld [smem:$0x3FB1]  }
0x2b: {  	s6 =	sld [smem:$0x3FB2]  }
0x2c: {  	s7 =	sld [smem:$0x3FB3]  }
0x2d: {  	s3 =	simm.s32 $0x108;
	s8 =	sld [smem:$0x3FB4]  }
0x2e: {  	s3 =	simm.s32 @!p0 $0x1082;
	s9 =	sld [smem:$0x3FB5]  }
0x2f: {  	lr =	sadd.s32 s0, s3;
	s0 =	sld [smem:$0x3FAC]  }
0x30: {  	s3 =	sld [smem:$0x3FAF]  }
0x31: {  	[smem:$0x3FB8] =	sst s10  }
0x32: {  	s10 =	sld [smem:$0x3FB6];
	_ =	sdelay $0x3  }
0x33: {  	p0 =	seq.s32 s10, $0x1;
	s10 =	sld [smem:$0x3FB8];
	_ =	sdelay $0x3  }
0x34: {  	[smem:$0x3FB8] =	sst s10  }
0x35: {  	s10 =	sld [smem:$0x3FB7];
	_ =	sdelay $0x3  }
0x36: {  	p1 =	seq.s32 s10, $0x1;
	s10 =	sld [smem:$0x3FB8];
	_ =	sdelay $0x3  }
0x37: {  	[smem:$0x3FB8] =	sst s10  }
0x38: {  	s10 =	sld [smem:$0x3FB9]  }
0x39: {  	_ = 	snop;
	(pc) =	sbr.ind lr, $3  }
0x3a: {  	_ = 	snop  }
0x3b: {  	_ = 	snop  }
0x3c: {  	p2 =	seq.s32 s10, $0x1;
	s10 =	sld [smem:$0x3FB8]  }
0x3d: {  	_ =	shalt  }
0x3e: {  	_ =	shalt  }
0x3f: {  	_ =	shalt  }
0x40: {  	_ =	shalt  }
0x41: {  	_ =	shalt  }
0x42: {  	_ =	shalt  }
0x43: {  	_ =	shalt  }
0x44: {  	_ =	shalt  }
0x45: {  	_ =	shalt  }
0x46: {  	_ =	shalt  }
0x47: {  	_ =	shalt  }
0x48: {  	_ =	shalt  }
0x49: {  	_ =	shalt  }
0x4a: {  	_ =	shalt  }
0x4b: {  	_ =	shalt  }
0x4c: {  	_ =	shalt  }
0x4d: {  	_ =	shalt  }
0x4e: {  	_ =	shalt  }
0x4f: {  	_ =	shalt  }
0x50: {  	_ =	shalt  }
0x51: {  	_ =	shalt  }
0x52: {  	_ =	shalt  }
0x53: {  	_ =	shalt  }
0x54: {  	_ =	shalt  }
0x55: {  	_ =	shalt  }
0x56: {  	_ =	shalt  }
0x57: {  	_ =	shalt  }
0x58: {  	_ =	shalt  }
0x59: {  	_ =	shalt  }
0x5a: {  	_ =	shalt  }
0x5b: {  	_ =	shalt  }
0x5c: {  	_ =	shalt  }
0x5d: {  	_ =	shalt  }
0x5e: {  	_ =	shalt  }
0x5f: {  	_ =	shalt  }
0x60: {  	_ =	shalt  }
0x61: {  	_ =	shalt  }
0x62: {  	_ =	shalt  }
0x63: {  	_ =	shalt  }
0x64: {  	_ =	shalt  }
0x65: {  	_ =	shalt  }
0x66: {  	_ =	shalt  }
0x67: {  	_ =	shalt  }
0x68: {  	_ =	shalt  }
0x69: {  	_ =	shalt  }
0x6a: {  	_ =	shalt  }
0x6b: {  	_ =	shalt  }
0x6c: {  	_ =	shalt  }
0x6d: {  	_ =	shalt  }
0x6e: {  	_ =	shalt  }
0x6f: {  	_ =	shalt  }
0x70: {  	_ =	shalt  }
0x71: {  	_ =	shalt  }
0x72: {  	_ =	shalt  }
0x73: {  	_ =	shalt  }
0x74: {  	_ =	shalt  }
0x75: {  	_ =	shalt  }
0x76: {  	_ =	shalt  }
0x77: {  	_ =	shalt  }
0x78: {  	_ =	shalt  }
0x79: {  	_ =	shalt  }
0x7a: {  	_ =	shalt  }
0x7b: {  	_ =	shalt  }
0x7c: {  	_ =	shalt  }
0x7d: {  	_ =	shalt  }
0x7e: {  	_ =	shalt  }
0x7f: {  	_ =	shalt  }
0x80: {  	_ =	shalt  }
0x81: {  	_ =	shalt  }
0x82: {  	_ =	shalt  }
0x83: {  	_ =	shalt  }
0x84: {  	_ =	shalt  }
0x85: {  	_ =	shalt  }
0x86: {  	_ =	shalt  }
0x87: {  	_ =	shalt  }
.Lfunc_end0:
.L_simem_size_0:
called_computation.1_lowered:
.L_overlay_start_0:
0x88: {  	s2 =	sld [smem:$0x3FD9]  }
0x89: {  	s3 =	sld [smem:$0x3FFE];
	_ =	sdelay $0x1  }
0x8a: {  	s1 =	srdreg.scid  }
0x8b: {  	s0 =	sand.u32 $0x1, s1  }
0x8c: {  	s17 =	sshll.u32 s0, $0xA;
	s2 =	sadd.s32 s3, s2  }
0x8d: {  	s2 =	sadd.s32 s2, s17  }
0x8e: {  	[smem:$0x3FC4] =	sst s2  }
0x8f: {  	_ = 	snop  }
0x90: {  	s2 =	sld [smem:$0x3FC9]  }
0x91: {  	s18 =	sld [smem:$0x3FD0];
	(tm) =	ssettm $0x1  }
0x92: {  	s4 =	sld [smem:$0x3FFB];
	_ =	sdelay $0x3  }
0x93: {  	_ =	strace s4  }
0x94: {  	s4 =	sld [smem:$0x3FFC];
	_ =	sdelay $0x3  }
0x95: {  	_ =	strace s4  }
0x96: {  	s4 =	sld [smem:$0x3FFD];
	_ =	sdelay $0x3  }
0x97: {  	_ =	strace s4  }
0x98: {  	_ =	strace $0x8FFFFFFF  }
0x99: {  	s19 =	sld [smem:$0x3FDB];
	_ =	sdelay $0x1  }
0x9a: {  	s5 =	simm.s32 $_scs_section_size  }
0x9b: {  	s6 =	simm.s32 $_size__tile_overlayer_lowered;
	s7 =	simm.s32 $_tile_overlayer_lowered  }
0x9c: {  	s22 =	simm.s32 $0x1BFF;
	s21 =	sshll.u32 s7, $0x1;
	s4 =	sadd.s32 s5, s19  }
0x9d: {  	s8 =	simm.s32 $0x0;
	s20 =	sshll.u32 s6, $0x1;
	s6 =	sadd.s32 s21, s4  }
0x9e: {  	[timem:s8], [sflag:s22] =	dma.local [hbm:s6], s20  }
0x9f: {  	_ =	swait.ge [sflag:s22], s20  }
0xa0: {  	s5 =	ssub.s32 $0x0, s20;
	[sflag:s22] =	ssyncset.done $0x0  }
0xa1: {  	[sflag:s22] =	ssyncadd.s32 s5;
	_ =	sdelay $0x1  }
0xa2: {  	s23 =	simm.s32 $0x1B8B  }
0xa3: {  	_ =	swait.ge [sflag:s23], $0x1  }
0xa4: {  	[sflag:s23] =	ssyncset.done $0x0  }
0xa5: {  	s25 =	simm.s32 $0x1B8E;
	s24 =	sld [smem:$0x3FFE];
	[sflag:s23] =	ssyncadd.s32 $0xFFFFFFFF  }
0xa6: {  	s26 =	simm.s32 $execute0_lowered;
	[smem:$0x3FD2] =	sst s25  }
0xa7: {  	s6 =	sshll.u32 s26, $0x1;
	_ =	strace $0x80000049;
	[dreg:$0x1] =	wrdreg $0xFFFFFFFF  }
0xa8: {  	s28 =	simm.s32 $_size_execute0_lowered;
	s4 =	sadd.s32 s4, s6;
	[dreg:$0x0] =	wrdreg $0x0  }
0xa9: {  	s6 =	sshll.u32 s28, $0x1;
	[dreg:$0x2] =	wrdreg s4  }
0xaa: {  	[dreg:$0x3] =	wrdreg s6  }
0xab: {  	[dreg:$0x4] =	wrdreg $0xC0  }
0xac: {  	_ =	task [dreg:s8], $0x5FFFF  }
0xad: {  	[dreg:$0x1] =	wrdreg $0xFFFFFFFF  }
0xae: {  	[dreg:$0x0] =	wrdreg $0x60  }
0xaf: {  	[dreg:$0x2] =	wrdreg s24  }
0xb0: {  	[dreg:$0x3] =	wrdreg s2  }
0xb1: {  	[dreg:$0x4] =	wrdreg s18  }
0xb2: {  	[dreg:$0x5] =	wrdreg $0x9  }
0xb3: {  	_ =	task.clear_ibuf [dreg:s8], $0x6FFFF;
	_ =	strace $0x90000049  }
0xb4: {  	s29 =	simm.s32 $0x9;
	_ =	strace $0x8000004B  }
0xb5: {  	_ =	swait.ge [sflag:s29], $0x1  }
0xb6: {  	[sflag:s29] =	ssyncadd.s32 $0xFFFFFFFF  }
0xb7: {  	_ =	strace $0x9000004B  }
0xb8: {  	_ =	sfence  }
0xb9: {  	s30 =	sld [smem:$0x0];
	_ =	sdelay $0x2  }
0xba: {  	s31 =	sshll.u32 s1, $0xD;
	s1 =	sshrl.u32 s1, $0x2  }
0xbb: {  	s3 =	sand.u32 $0x4000, s31;
	s1 =	sadd.s32 s1, s30  }
0xbc: {  	s0 =	sor.u32 s3, s0;
	s1 =	sshll.u32 s1, $0x11  }
0xbd: {  	s0 =	sor.u32 s1, s0  }
0xbe: {  	s0 =	sadd.s32 $0x8F2B, s0  }
0xbf: {  	[sflag:s0] =	ssyncadd.remote.s32 $0x1  }
0xc0: {  	_ =	sfence.sel $0xFFFF  }
0xc1: {  	[dreg:$0x0] =	wrdreg $0xFFFFFFFF;
	(pc) =	sbr.abs _section_cstart, $3  }
0xc2: {  	[dreg:$0x1] =	wrdreg $0xFFFFFFFF  }
0xc3: {  	_ =	task.clear_ibuf [dreg:s8], $0x2FFFF;
	_ =	strace $0x9FFFFFFF  }
0xc4: {  	(tm) =	ssettm $0x7FFFFFFF  }
0xc5: {  	_ =	shalt  }
tec
execute0_lowered:
.L_overlay_start_1:
0x0: {  	(tag) =	ssettag $0x1  }
0x1: {  	s4 =	rddreg [dreg:$0x0]  }
0x2: {  	s1 =	rddreg [dreg:$0x1]  }
0x3: {  	s5 =	rddreg [dreg:$0x2]  }
0x4: {  	s0 =	rddreg [dreg:$0x3];
	s2 =	simm.s32 $0x0;
	s3 =	srdreg.scid  }
0x5: {  	s9 =	simm.s32 $0x1;
	s10 =	simm.s32 $0x0;
	s6 =	sand.u32 $0x1, s3  }
0x6: {  	s3 =	stileid.u32;
	s7 =	ssub.s32 $0x2, s6;
	s6 =	sshll.u32 s6, $0x4  }
0x7: {  	[smem:$0x7FF] =	sst s2;
	s4 =	sadd.s32 $0x7C200, s4;
	s6 =	sor.u32 s3, s6  }
0x8: {  	_ =	strace $0x8000004A;
	s8 =	sshrl.u32 s7, $0x1;
	s31 =	smul.u32 $0xF4280, s6  }
0x9: {  	s7 =	ssub.s32 s7, s8;
	s6 =	sshll.u32 s6, $0xB;
	s8 =	simm.s32 $0x4000  }
0xa: {  	s5 =	sadd.s32 s5, s6;
	s6 =	smax.u32 s7, $0x1;
	s7 =	simm.s32 $0x2;
	v0 =	vmov s31  }
.LBB2_1:
0xb: {  	[tilespmem:s2], [sflag:$0x2] =	stream.linear.gather [hbm4b:s1+s2], $0x4000, $0x38;
	[tilespmem:$0x8000] =	vst v63  }
0xc: {  	_ =	swait.ge [sflag:s7], $0x4000  }
0xd: {  	[sflag:s7] =	ssyncset.done $0x0  }
0xe: {  	s11 =	simm.s32 $0x0;
	s12 =	simm.s32 $0x40;
	[sflag:s7] =	ssyncadd.s32 $0xFFFFC000  }
.LBB2_2:
0xf: {  	p0 =	sne.s32 s12, $0xFFC0;
	v1 =	vld [tilespmem:s11+$0x0];
	_ =	sdelay $0x1  }
.Ltmp0:
0x10: {  	(pc) =	sbr.rel @p0 .LBB2_2-.Ltmp0, $3  }
0x11: {  	_ =	sdelay $0x1  }
0x12: {  	v1 =	vadd.s32 v0, v1  }
0x13: {  	[tilespmem:s11+$0x0] =	vst v1;
	s11 =	sshra.s32 s12, $0x2;
	s12 =	sadd.s32 $0x40, s12  }
0x14: {  	v1 =	vld [tilespmem:s11+$0x0];
	_ =	sdelay $0x4  }
0x15: {  	v1 =	vadd.s32 v0, v1  }
0x16: {  	[tilespmem:s11+$0x0] =	vst v1  }
0x17: {  	[tilespmem:s8], [sflag:$0x1] =	stream.indirect.gather [hbm4b:s4+s8], $0x1, s2, s8, $0xb8;
	[tilespmem:$0x8000] =	vst v63  }
0x18: {  	s10 =	sadd.s32 $0x1, s10;
	_ =	swait.ge [sflag:s9], $0x4000  }
0x19: {  	p0 =	sne.s32 s10, s6;
	[sflag:s9] =	ssyncset.done $0x0  }
.Ltmp1:
0x1a: {  	[sflag:s9] =	ssyncadd.s32 $0xFFFFC000;
	(pc) =	sbr.rel @p0 .LBB2_1-.Ltmp1, $4  }
0x1b: {  	[hbm4b:s5+s2] =	stream.linear.scatter [tilespmem:s8], [sflag:$0x2], $0x4000, $0x38;
	[tilespmem:$0x8000] =	vst v63  }
0x1c: {  	_ =	swait.ge [sflag:s7], $0x4000  }
0x1d: {  	[sflag:s7] =	ssyncset.done $0x0  }
0x1e: {  	[sflag:s7] =	ssyncadd.s32 $0xFFFFC000  }
0x1f: {  	_ =	sfence.sel $0x180000  }
0x20: {  	[bflag:$0x0] =	sbarrier.arrive $0xFFFF  }
0x21: {  	p0 =	sne.s32 s3, $0x0;
	_ =	strace $0x9000004A  }
0x22: {  	s0 =	sadd.s32 @!p0 $0x100000, s0;
	[bflag:$0x2] =	sbarrier.arrive $0xFFFF  }
0x23: {  	[sflag:s0] =	ssyncadd.tile.s32 @!p0 $0x1;
	_ =	shalt  }
.Lfunc_end2:
_tile_overlayer_lowered:
.L_overlay_start_2:
0x24: {  	(tag) =	ssettag $0x2  }
0x25: {  	s0 =	rddreg [dreg:$0x0];
	s2 =	stileid.u32  }
0x26: {  	s1 =	rddreg [dreg:$0x1];
	p0 =	sne.s32 s2, $0x0  }
0x27: {  	s3 =	rddreg [dreg:$0x2];
	[bflag:$0x3] =	sbarrier.arrive $0xFFFF;
	s2 =	simm.s32 @!p0 $0x1C02  }
0x28: {  	[timem:s3], [sflag:s2] =	dma.local @!p0 [hbm:s0], s1  }
0x29: {  	s0 =	simm.s32 @!p0 $0x2  }
0x2a: {  	_ =	swait.ge @!p0 [sflag:s0], s1  }
0x2b: {  	s1 =	ssub.s32 @!p0 $0x0, s1;
	[sflag:s0] =	ssyncset.done @!p0 $0x0  }
0x2c: {  	[sflag:s0] =	ssyncadd.s32 @!p0 s1  }
0x2d: {  	[bflag:$0x3] =	sbarrier.arrive $0xFFFF  }
0x2e: {  	_ =	shalt  }

</sc_bundles>
